<compile_context>
chip_gen: v7x
topology: tpu7x:2x2x1
jax: 0.10.2.dev20260603
libtpu: 0.0.44.dev20260713+nightly
codegen_flags: <defaults>
</compile_context>

<pallas_src>
import jax
import jax.numpy as jnp
from jax import lax
from jax.experimental import pallas as pl
from jax.experimental.pallas import tpu as pltpu
from jax.experimental.pallas import tpu_sc as plsc

_B = 16384
_NC = 2
_NS = 16
_NW = _NC * _NS
_BPW = _B // _NW
_D = 1.702
_VALUE_RANGE = 8.0
_A_RANGE = 3.0


def _abc_body(item_hbm, a_hbm, b_hbm, c_hbm,
              a_out, b_out, c_out,
              iidx_v, a_v, b_v, c_v, sem):
    wid = lax.axis_index("s") * _NC + lax.axis_index("c")
    base = wid * _BPW
    sl = pl.ds(base, _BPW)
    pltpu.sync_copy(item_hbm.at[sl], iidx_v)
    cps = [
        pltpu.async_copy(a_hbm.at[iidx_v], a_v, sem),
        pltpu.async_copy(b_hbm.at[iidx_v], b_v, sem),
        pltpu.async_copy(c_hbm.at[iidx_v], c_v, sem),
    ]
    for cp in cps:
        cp.wait()
    outs = [
        pltpu.async_copy(a_v, a_out.at[sl], sem),
        pltpu.async_copy(b_v, b_out.at[sl], sem),
        pltpu.async_copy(c_v, c_out.at[sl], sem),
    ]
    for cp in outs:
        cp.wait()


_sc_abc = pl.kernel(
    _abc_body,
    out_type=[jax.ShapeDtypeStruct((_B,), jnp.float32)] * 3,
    mesh=plsc.VectorSubcoreMesh(core_axis_name="c", subcore_axis_name="s"),
    scratch_types=[
        pltpu.VMEM((_BPW,), jnp.int32),
        pltpu.VMEM((_BPW,), jnp.float32),
        pltpu.VMEM((_BPW,), jnp.float32),
        pltpu.VMEM((_BPW,), jnp.float32),
        pltpu.SemaphoreType.DMA,
    ],
)


def _theta_body(user_hbm, theta_hbm, theta_out, uidx_v, th_v, sem):
    wid = lax.axis_index("s") * _NC + lax.axis_index("c")
    base = wid * _BPW
    sl = pl.ds(base, _BPW)
    pltpu.sync_copy(user_hbm.at[sl], uidx_v)
    pltpu.async_copy(theta_hbm.at[uidx_v], th_v, sem).wait()
    pltpu.sync_copy(th_v, theta_out.at[sl])


_sc_theta = pl.kernel(
    _theta_body,
    out_type=jax.ShapeDtypeStruct((_B,), jnp.float32),
    mesh=plsc.VectorSubcoreMesh(core_axis_name="c", subcore_axis_name="s"),
    scratch_types=[
        pltpu.VMEM((_BPW,), jnp.int32),
        pltpu.VMEM((_BPW,), jnp.float32),
        pltpu.SemaphoreType.DMA,
    ],
)


def _sigmoid(x):
    return 1.0 / (1.0 + jnp.exp(-x))


def _tc_body(x_ref, a_ref, b_ref, c_ref, w1_ref, b1_ref, w2_ref, b2_ref,
             w3_ref, b3_ref, wd_ref, bd_ref, irf_ref, d_ref):
    th = x_ref[...]
    c_s = _sigmoid(c_ref[...])
    theta_t = _VALUE_RANGE * (_sigmoid(th) - 0.5)
    b_t = _VALUE_RANGE * (_sigmoid(b_ref[...]) - 0.5)
    a_t = _A_RANGE * _sigmoid(a_ref[...])
    irf_ref[...] = c_s + (1.0 - c_s) / (
        1.0 + jnp.exp(-_D * a_t * (theta_t - b_t)))
    x = th.reshape(_B, 1)
    h1 = jnp.maximum(x * w1_ref[...] + b1_ref[...], 0.0)
    h2 = jnp.maximum(
        jnp.dot(h1, w2_ref[...], preferred_element_type=jnp.float32)
        + b2_ref[...], 0.0)
    h3 = lax.dot_general(
        w3_ref[...], h2, (((1,), (1,)), ((), ())),
        preferred_element_type=jnp.float32).reshape(_B)
    d_ref[...] = (h3 + b3_ref[0, 0]) * wd_ref[0, 0] + bd_ref[0, 0]


_tc_math = pl.pallas_call(
    _tc_body,
    out_shape=[
        jax.ShapeDtypeStruct((_B,), jnp.float32),
        jax.ShapeDtypeStruct((_B,), jnp.float32),
    ],
)


def kernel(user, item, theta_table, a_table, b_table, c_table,
           W1, b1, W2, b2, W3, b3, Wd, bd):
    af = a_table.reshape(-1)
    bf = b_table.reshape(-1)
    cf = c_table.reshape(-1)
    af, bf, cf, theta_table = lax.optimization_barrier(
        (af, bf, cf, theta_table))
    a_g, b_g, c_g = _sc_abc(item, af, bf, cf)
    theta_raw = _sc_theta(user, theta_table.reshape(-1))
    irf_out, d_out = _tc_math(
        theta_raw, a_g, b_g, c_g,
        W1.reshape(1, 64), b1.reshape(1, 64),
        W2.T, b2.reshape(1, 32),
        W3, b3.reshape(1, 1),
        Wd, bd.reshape(1, 1))
    return (irf_out, d_out.reshape(_B, 1))

# --- scband reference (transcript-rebuilt; emitter-appended) ---
"""Pipeline reference for scband-irtnet-69114613730660 (READ-ONLY COPY).

The authoritative reference and input builder live on the scoring server;
editing this copy changes nothing except your own understanding.
"""

import jax, jax.numpy as jnp
import numpy as np

USER_NUM = 1000000
ITEM_NUM = 100000
B = 16384
VALUE_RANGE = 8.0
A_RANGE = 3.0
D = 1.702


def _xavier(key, shape):
    fan_in, fan_out = shape[1], shape[0]
    std = np.sqrt(2.0 / (fan_in + fan_out))
    return jax.random.normal(key, shape, dtype=jnp.float32) * std


def setup_inputs(seed: int = 0) -> dict:
    key = jax.random.key(seed)
    ks = jax.random.split(key, 16)
    user = jax.random.randint(ks[0], (B,), 0, USER_NUM, dtype=jnp.int64 if jax.config.jax_enable_x64 else jnp.int32).astype(jnp.int32)
    item = jax.random.randint(ks[1], (B,), 0, ITEM_NUM, dtype=jnp.int64 if jax.config.jax_enable_x64 else jnp.int32).astype(jnp.int32)
    theta_table = _xavier(ks[2], (USER_NUM, 1))
    a_table = _xavier(ks[3], (ITEM_NUM, 1))
    b_table = _xavier(ks[4], (ITEM_NUM, 1))
    c_table = _xavier(ks[5], (ITEM_NUM, 1))
    W1 = _xavier(ks[6], (64, 1)); b1 = jnp.zeros((64,), jnp.float32)
    W2 = _xavier(ks[7], (32, 64)); b2 = jnp.zeros((32,), jnp.float32)
    W3 = _xavier(ks[8], (1, 32)); b3 = jnp.zeros((1,), jnp.float32)
    Wd = _xavier(ks[9], (1, 1)); bd = jnp.zeros((1,), jnp.float32)
    return dict(user=user, item=item, theta_table=theta_table, a_table=a_table,
                b_table=b_table, c_table=c_table, W1=W1, b1=b1, W2=W2, b2=b2,
                W3=W3, b3=b3, Wd=Wd, bd=bd)


def reference(user, item, theta_table, a_table, b_table, c_table,
              W1, b1, W2, b2, W3, b3, Wd, bd):
    # embedding lookups (gather)
    theta_emb = jnp.take(theta_table, user, axis=0)  # [B, 1]
    theta = jnp.squeeze(theta_emb, axis=-1)          # [B]
    a = jnp.squeeze(jnp.take(a_table, item, axis=0), axis=-1)
    b = jnp.squeeze(jnp.take(b_table, item, axis=0), axis=-1)
    c = jnp.squeeze(jnp.take(c_table, item, axis=0), axis=-1)
    c = jax.nn.sigmoid(c)
    # value_range / a_range transforms
    theta_t = VALUE_RANGE * (jax.nn.sigmoid(theta) - 0.5)
    b_t = VALUE_RANGE * (jax.nn.sigmoid(b) - 0.5)
    a_t = A_RANGE * jax.nn.sigmoid(a)
    # enc MLP on raw theta embedding, then dis linear
    h = jnp.maximum(theta_emb @ W1.T + b1, 0.0)
    h = jnp.maximum(h @ W2.T + b2, 0.0)
    h = h @ W3.T + b3
    d_output = h @ Wd.T + bd  # [B, 1]
    # irt3pl: c + (1 - c) / (1 + exp(-D * a * (theta - b)))
    irf_out = c + (1.0 - c) / (1.0 + jnp.exp(-D * a_t * (theta_t - b_t)))
    return (irf_out, d_output)

if __name__ == "__main__":
    import jax
    _d = setup_inputs()
    print(jax.jit(kernel)(*tuple(_d.values())))

</pallas_src>

<mosaic_0001>
#map = affine_map<(d0, d1) -> (0)>
module attributes {stable_mosaic.version = 14 : i64} {
  func.func @_theta_body(%arg0: i32, %arg1: i32, %arg2: memref<16384xi32, #tpu.memory_space<hbm>>, %arg3: memref<1000000xf32, #tpu.memory_space<hbm>>, %arg4: memref<16384xf32, #tpu.memory_space<hbm>>, %arg5: memref<512xi32, #tpu.memory_space<vmem>>, %arg6: memref<512xf32, #tpu.memory_space<vmem>>, %arg7: memref<!tpu.dma_semaphore, #tpu.memory_space<semaphore_mem>>) attributes {dimension_semantics = [#tpu.dimension_semantics<core_parallel>, #tpu.dimension_semantics<subcore_parallel>], iteration_bounds = array<i64: 2, 16>, scalar_prefetch = 0 : i64, scratch_operands = 3 : i64, tpu.core_type = #tpu.core_type<sc_vector_subcore>, window_params = [{transform_indices = #map}, {transform_indices = #map}, {transform_indices = #map}]} {
    %mul3A = arith.constant 2 : i32
    %mul3A_0 = arith.muli %arg1, %mul3A : i32
    %add3A = arith.addi %mul3A_0, %arg0 : i32
    %mul3A_1 = arith.constant 512 : i32
    %mul3A_2 = arith.muli %add3A, %mul3A_1 : i32
    "tpu.region"() ({
      %run_scoped3A = tpu.sem_alloc : memref<!tpu.dma_semaphore, #tpu.memory_space<semaphore_mem>>
      %dma_start3A_5 = tpu.memref_slice %arg2[%mul3A_2] : memref<16384xi32, #tpu.memory_space<hbm>> -> memref<512xi32, #tpu.memory_space<hbm>>
      %dma_start3A_6 = tpu.memref_slice %arg2[%mul3A_2] : memref<16384xi32, #tpu.memory_space<hbm>> -> memref<512xi32, #tpu.memory_space<hbm>>
      tpu.enqueue_dma source(%dma_start3A_6 : memref<512xi32, #tpu.memory_space<hbm>>) target(%arg5 : memref<512xi32, #tpu.memory_space<vmem>>) target_semaphore(%run_scoped3A : memref<!tpu.dma_semaphore, #tpu.memory_space<semaphore_mem>>)
      %dma_wait3A_7 = tpu.memref_slice %arg2[%mul3A_2] : memref<16384xi32, #tpu.memory_space<hbm>> -> memref<512xi32, #tpu.memory_space<hbm>>
      %dma_wait3A_8 = tpu.memref_slice %arg2[%mul3A_2] : memref<16384xi32, #tpu.memory_space<hbm>> -> memref<512xi32, #tpu.memory_space<hbm>>
      tpu.wait_dma2 semaphore(%run_scoped3A : memref<!tpu.dma_semaphore, #tpu.memory_space<semaphore_mem>>) src(%dma_wait3A_8 : memref<512xi32, #tpu.memory_space<hbm>>) dst(%arg5 : memref<512xi32, #tpu.memory_space<vmem>>)
      tpu.yield
    }) : () -> ()
    %dma_start3A = arith.constant 0 : i32
    %dma_start3A_3 = tpu.memref_slice %arg3[%dma_start3A] : memref<1000000xf32, #tpu.memory_space<hbm>> -> memref<1000000xf32, #tpu.memory_space<hbm>>
    tpu.enqueue_indirect_dma source(%dma_start3A_3 : memref<1000000xf32, #tpu.memory_space<hbm>>) target(%arg6 : memref<512xf32, #tpu.memory_space<vmem>>) offsets(%arg5 : memref<512xi32, #tpu.memory_space<vmem>>) semaphore(%arg7 : memref<!tpu.dma_semaphore, #tpu.memory_space<semaphore_mem>>)
    %dma_wait3A = arith.constant 0 : i32
    %dma_wait3A_4 = tpu.memref_slice %arg3[%dma_wait3A] : memref<1000000xf32, #tpu.memory_space<hbm>> -> memref<1000000xf32, #tpu.memory_space<hbm>>
    tpu.wait_indirect_dma semaphore(%arg7 : memref<!tpu.dma_semaphore, #tpu.memory_space<semaphore_mem>>) src(%dma_wait3A_4 : memref<1000000xf32, #tpu.memory_space<hbm>>) dst(%arg6 : memref<512xf32, #tpu.memory_space<vmem>>)
    "tpu.region"() ({
      %run_scoped3A = tpu.sem_alloc : memref<!tpu.dma_semaphore, #tpu.memory_space<semaphore_mem>>
      %dma_start3A_5 = tpu.memref_slice %arg4[%mul3A_2] : memref<16384xf32, #tpu.memory_space<hbm>> -> memref<512xf32, #tpu.memory_space<hbm>>
      %dma_start3A_6 = tpu.memref_slice %arg4[%mul3A_2] : memref<16384xf32, #tpu.memory_space<hbm>> -> memref<512xf32, #tpu.memory_space<hbm>>
      tpu.enqueue_dma source(%arg6 : memref<512xf32, #tpu.memory_space<vmem>>) target(%dma_start3A_6 : memref<512xf32, #tpu.memory_space<hbm>>) target_semaphore(%run_scoped3A : memref<!tpu.dma_semaphore, #tpu.memory_space<semaphore_mem>>)
      %dma_wait3A_7 = tpu.memref_slice %arg4[%mul3A_2] : memref<16384xf32, #tpu.memory_space<hbm>> -> memref<512xf32, #tpu.memory_space<hbm>>
      %dma_wait3A_8 = tpu.memref_slice %arg4[%mul3A_2] : memref<16384xf32, #tpu.memory_space<hbm>> -> memref<512xf32, #tpu.memory_space<hbm>>
      tpu.wait_dma2 semaphore(%run_scoped3A : memref<!tpu.dma_semaphore, #tpu.memory_space<semaphore_mem>>) src(%arg6 : memref<512xf32, #tpu.memory_space<vmem>>) dst(%dma_wait3A_8 : memref<512xf32, #tpu.memory_space<hbm>>)
      tpu.yield
    }) : () -> ()
    return
  }
}

#map = affine_map<(d0, d1) -> (0)>
module attributes {stable_mosaic.version = 14 : i64} {
  func.func @_abc_body(%arg0: i32, %arg1: i32, %arg2: memref<16384xi32, #tpu.memory_space<hbm>>, %arg3: memref<100000xf32, #tpu.memory_space<hbm>>, %arg4: memref<100000xf32, #tpu.memory_space<hbm>>, %arg5: memref<100000xf32, #tpu.memory_space<hbm>>, %arg6: memref<16384xf32, #tpu.memory_space<hbm>>, %arg7: memref<16384xf32, #tpu.memory_space<hbm>>, %arg8: memref<16384xf32, #tpu.memory_space<hbm>>, %arg9: memref<512xi32, #tpu.memory_space<vmem>>, %arg10: memref<512xf32, #tpu.memory_space<vmem>>, %arg11: memref<512xf32, #tpu.memory_space<vmem>>, %arg12: memref<512xf32, #tpu.memory_space<vmem>>, %arg13: memref<!tpu.dma_semaphore, #tpu.memory_space<semaphore_mem>>) attributes {dimension_semantics = [#tpu.dimension_semantics<core_parallel>, #tpu.dimension_semantics<subcore_parallel>], iteration_bounds = array<i64: 2, 16>, scalar_prefetch = 0 : i64, scratch_operands = 5 : i64, tpu.core_type = #tpu.core_type<sc_vector_subcore>, window_params = [{transform_indices = #map}, {transform_indices = #map}, {transform_indices = #map}, {transform_indices = #map}, {transform_indices = #map}, {transform_indices = #map}, {transform_indices = #map}]} {
    %mul3A = arith.constant 2 : i32
    %mul3A_0 = arith.muli %arg1, %mul3A : i32
    %add3A = arith.addi %mul3A_0, %arg0 : i32
    %mul3A_1 = arith.constant 512 : i32
    %mul3A_2 = arith.muli %add3A, %mul3A_1 : i32
    "tpu.region"() ({
      %run_scoped3A = tpu.sem_alloc : memref<!tpu.dma_semaphore, #tpu.memory_space<semaphore_mem>>
      %dma_start3A_25 = tpu.memref_slice %arg2[%mul3A_2] : memref<16384xi32, #tpu.memory_space<hbm>> -> memref<512xi32, #tpu.memory_space<hbm>>
      %dma_start3A_26 = tpu.memref_slice %arg2[%mul3A_2] : memref<16384xi32, #tpu.memory_space<hbm>> -> memref<512xi32, #tpu.memory_space<hbm>>
      tpu.enqueue_dma source(%dma_start3A_26 : memref<512xi32, #tpu.memory_space<hbm>>) target(%arg9 : memref<512xi32, #tpu.memory_space<vmem>>) target_semaphore(%run_scoped3A : memref<!tpu.dma_semaphore, #tpu.memory_space<semaphore_mem>>)
      %dma_wait3A_27 = tpu.memref_slice %arg2[%mul3A_2] : memref<16384xi32, #tpu.memory_space<hbm>> -> memref<512xi32, #tpu.memory_space<hbm>>
      %dma_wait3A_28 = tpu.memref_slice %arg2[%mul3A_2] : memref<16384xi32, #tpu.memory_space<hbm>> -> memref<512xi32, #tpu.memory_space<hbm>>
      tpu.wait_dma2 semaphore(%run_scoped3A : memref<!tpu.dma_semaphore, #tpu.memory_space<semaphore_mem>>) src(%dma_wait3A_28 : memref<512xi32, #tpu.memory_space<hbm>>) dst(%arg9 : memref<512xi32, #tpu.memory_space<vmem>>)
      tpu.yield
    }) : () -> ()
    %dma_start3A = arith.constant 0 : i32
    %dma_start3A_3 = tpu.memref_slice %arg3[%dma_start3A] : memref<100000xf32, #tpu.memory_space<hbm>> -> memref<100000xf32, #tpu.memory_space<hbm>>
    tpu.enqueue_indirect_dma source(%dma_start3A_3 : memref<100000xf32, #tpu.memory_space<hbm>>) target(%arg10 : memref<512xf32, #tpu.memory_space<vmem>>) offsets(%arg9 : memref<512xi32, #tpu.memory_space<vmem>>) semaphore(%arg13 : memref<!tpu.dma_semaphore, #tpu.memory_space<semaphore_mem>>)
    %dma_start3A_4 = arith.constant 0 : i32
    %dma_start3A_5 = tpu.memref_slice %arg4[%dma_start3A_4] : memref<100000xf32, #tpu.memory_space<hbm>> -> memref<100000xf32, #tpu.memory_space<hbm>>
    tpu.enqueue_indirect_dma source(%dma_start3A_5 : memref<100000xf32, #tpu.memory_space<hbm>>) target(%arg11 : memref<512xf32, #tpu.memory_space<vmem>>) offsets(%arg9 : memref<512xi32, #tpu.memory_space<vmem>>) semaphore(%arg13 : memref<!tpu.dma_semaphore, #tpu.memory_space<semaphore_mem>>)
    %dma_start3A_6 = arith.constant 0 : i32
    %dma_start3A_7 = tpu.memref_slice %arg5[%dma_start3A_6] : memref<100000xf32, #tpu.memory_space<hbm>> -> memref<100000xf32, #tpu.memory_space<hbm>>
    tpu.enqueue_indirect_dma source(%dma_start3A_7 : memref<100000xf32, #tpu.memory_space<hbm>>) target(%arg12 : memref<512xf32, #tpu.memory_space<vmem>>) offsets(%arg9 : memref<512xi32, #tpu.memory_space<vmem>>) semaphore(%arg13 : memref<!tpu.dma_semaphore, #tpu.memory_space<semaphore_mem>>)
    %dma_wait3A = arith.constant 0 : i32
    %dma_wait3A_8 = tpu.memref_slice %arg3[%dma_wait3A] : memref<100000xf32, #tpu.memory_space<hbm>> -> memref<100000xf32, #tpu.memory_space<hbm>>
    tpu.wait_indirect_dma semaphore(%arg13 : memref<!tpu.dma_semaphore, #tpu.memory_space<semaphore_mem>>) src(%dma_wait3A_8 : memref<100000xf32, #tpu.memory_space<hbm>>) dst(%arg10 : memref<512xf32, #tpu.memory_space<vmem>>)
    %dma_wait3A_9 = arith.constant 0 : i32
    %dma_wait3A_10 = tpu.memref_slice %arg4[%dma_wait3A_9] : memref<100000xf32, #tpu.memory_space<hbm>> -> memref<100000xf32, #tpu.memory_space<hbm>>
    tpu.wait_indirect_dma semaphore(%arg13 : memref<!tpu.dma_semaphore, #tpu.memory_space<semaphore_mem>>) src(%dma_wait3A_10 : memref<100000xf32, #tpu.memory_space<hbm>>) dst(%arg11 : memref<512xf32, #tpu.memory_space<vmem>>)
    %dma_wait3A_11 = arith.constant 0 : i32
    %dma_wait3A_12 = tpu.memref_slice %arg5[%dma_wait3A_11] : memref<100000xf32, #tpu.memory_space<hbm>> -> memref<100000xf32, #tpu.memory_space<hbm>>
    tpu.wait_indirect_dma semaphore(%arg13 : memref<!tpu.dma_semaphore, #tpu.memory_space<semaphore_mem>>) src(%dma_wait3A_12 : memref<100000xf32, #tpu.memory_space<hbm>>) dst(%arg12 : memref<512xf32, #tpu.memory_space<vmem>>)
    %dma_start3A_13 = tpu.memref_slice %arg6[%mul3A_2] : memref<16384xf32, #tpu.memory_space<hbm>> -> memref<512xf32, #tpu.memory_space<hbm>>
    %dma_start3A_14 = tpu.memref_slice %arg6[%mul3A_2] : memref<16384xf32, #tpu.memory_space<hbm>> -> memref<512xf32, #tpu.memory_space<hbm>>
    tpu.enqueue_dma source(%arg10 : memref<512xf32, #tpu.memory_space<vmem>>) target(%dma_start3A_14 : memref<512xf32, #tpu.memory_space<hbm>>) target_semaphore(%arg13 : memref<!tpu.dma_semaphore, #tpu.memory_space<semaphore_mem>>)
    %dma_start3A_15 = tpu.memref_slice %arg7[%mul3A_2] : memref<16384xf32, #tpu.memory_space<hbm>> -> memref<512xf32, #tpu.memory_space<hbm>>
    %dma_start3A_16 = tpu.memref_slice %arg7[%mul3A_2] : memref<16384xf32, #tpu.memory_space<hbm>> -> memref<512xf32, #tpu.memory_space<hbm>>
    tpu.enqueue_dma source(%arg11 : memref<512xf32, #tpu.memory_space<vmem>>) target(%dma_start3A_16 : memref<512xf32, #tpu.memory_space<hbm>>) target_semaphore(%arg13 : memref<!tpu.dma_semaphore, #tpu.memory_space<semaphore_mem>>)
    %dma_start3A_17 = tpu.memref_slice %arg8[%mul3A_2] : memref<16384xf32, #tpu.memory_space<hbm>> -> memref<512xf32, #tpu.memory_space<hbm>>
    %dma_start3A_18 = tpu.memref_slice %arg8[%mul3A_2] : memref<16384xf32, #tpu.memory_space<hbm>> -> memref<512xf32, #tpu.memory_space<hbm>>
    tpu.enqueue_dma source(%arg12 : memref<512xf32, #tpu.memory_space<vmem>>) target(%dma_start3A_18 : memref<512xf32, #tpu.memory_space<hbm>>) target_semaphore(%arg13 : memref<!tpu.dma_semaphore, #tpu.memory_space<semaphore_mem>>)
    %dma_wait3A_19 = tpu.memref_slice %arg6[%mul3A_2] : memref<16384xf32, #tpu.memory_space<hbm>> -> memref<512xf32, #tpu.memory_space<hbm>>
    %dma_wait3A_20 = tpu.memref_slice %arg6[%mul3A_2] : memref<16384xf32, #tpu.memory_space<hbm>> -> memref<512xf32, #tpu.memory_space<hbm>>
    tpu.wait_dma2 semaphore(%arg13 : memref<!tpu.dma_semaphore, #tpu.memory_space<semaphore_mem>>) src(%arg10 : memref<512xf32, #tpu.memory_space<vmem>>) dst(%dma_wait3A_20 : memref<512xf32, #tpu.memory_space<hbm>>)
    %dma_wait3A_21 = tpu.memref_slice %arg7[%mul3A_2] : memref<16384xf32, #tpu.memory_space<hbm>> -> memref<512xf32, #tpu.memory_space<hbm>>
    %dma_wait3A_22 = tpu.memref_slice %arg7[%mul3A_2] : memref<16384xf32, #tpu.memory_space<hbm>> -> memref<512xf32, #tpu.memory_space<hbm>>
    tpu.wait_dma2 semaphore(%arg13 : memref<!tpu.dma_semaphore, #tpu.memory_space<semaphore_mem>>) src(%arg11 : memref<512xf32, #tpu.memory_space<vmem>>) dst(%dma_wait3A_22 : memref<512xf32, #tpu.memory_space<hbm>>)
    %dma_wait3A_23 = tpu.memref_slice %arg8[%mul3A_2] : memref<16384xf32, #tpu.memory_space<hbm>> -> memref<512xf32, #tpu.memory_space<hbm>>
    %dma_wait3A_24 = tpu.memref_slice %arg8[%mul3A_2] : memref<16384xf32, #tpu.memory_space<hbm>> -> memref<512xf32, #tpu.memory_space<hbm>>
    tpu.wait_dma2 semaphore(%arg13 : memref<!tpu.dma_semaphore, #tpu.memory_space<semaphore_mem>>) src(%arg12 : memref<512xf32, #tpu.memory_space<vmem>>) dst(%dma_wait3A_24 : memref<512xf32, #tpu.memory_space<hbm>>)
    return
  }
}

module attributes {stable_mosaic.version = 14 : i64} {
  func.func @_tc_body(%arg0: memref<16384xf32, #tpu.memory_space<vmem>>, %arg1: memref<16384xf32, #tpu.memory_space<vmem>>, %arg2: memref<16384xf32, #tpu.memory_space<vmem>>, %arg3: memref<16384xf32, #tpu.memory_space<vmem>>, %arg4: memref<1x64xf32, #tpu.memory_space<vmem>>, %arg5: memref<1x64xf32, #tpu.memory_space<vmem>>, %arg6: memref<64x32xf32, #tpu.memory_space<vmem>>, %arg7: memref<1x32xf32, #tpu.memory_space<vmem>>, %arg8: memref<1x32xf32, #tpu.memory_space<vmem>>, %arg9: memref<1x1xf32, #tpu.memory_space<vmem>>, %arg10: memref<1x1xf32, #tpu.memory_space<vmem>>, %arg11: memref<1x1xf32, #tpu.memory_space<vmem>>, %arg12: memref<16384xf32, #tpu.memory_space<vmem>>, %arg13: memref<16384xf32, #tpu.memory_space<vmem>>) attributes {dimension_semantics = [], scalar_prefetch = 0 : i64, scratch_operands = 0 : i64, tpu.core_type = #tpu.core_type<tc>} {
    %get3A = arith.constant 0 : index
    %get3A_0 = vector.load %arg0[%get3A] : memref<16384xf32, #tpu.memory_space<vmem>>, vector<16384xf32>
    %get3A_1 = arith.constant 0 : index
    %get3A_2 = vector.load %arg3[%get3A_1] : memref<16384xf32, #tpu.memory_space<vmem>>, vector<16384xf32>
    %neg3A = arith.constant 0.000000e+00 : f32
    %neg3A_3 = vector.broadcast %neg3A : f32 to vector<16384xf32>
    %neg3A_4 = arith.subf %neg3A_3, %get3A_2 : vector<16384xf32>
    %exp3A = math.exp %neg3A_4 : vector<16384xf32>
    %add3A = arith.constant 1.000000e+00 : f32
    %add3A_5 = vector.broadcast %add3A : f32 to vector<16384xf32>
    %add3A_6 = arith.addf %add3A_5, %exp3A : vector<16384xf32>
    %div3A = arith.constant 1.000000e+00 : f32
    %div3A_7 = vector.broadcast %div3A : f32 to vector<16384xf32>
    %div3A_8 = arith.divf %div3A_7, %add3A_6 : vector<16384xf32>
    %neg3A_9 = arith.constant 0.000000e+00 : f32
    %neg3A_10 = vector.broadcast %neg3A_9 : f32 to vector<16384xf32>
    %neg3A_11 = arith.subf %neg3A_10, %get3A_0 : vector<16384xf32>
    %exp3A_12 = math.exp %neg3A_11 : vector<16384xf32>
    %add3A_13 = arith.constant 1.000000e+00 : f32
    %add3A_14 = vector.broadcast %add3A_13 : f32 to vector<16384xf32>
    %add3A_15 = arith.addf %add3A_14, %exp3A_12 : vector<16384xf32>
    %div3A_16 = arith.constant 1.000000e+00 : f32
    %div3A_17 = vector.broadcast %div3A_16 : f32 to vector<16384xf32>
    %div3A_18 = arith.divf %div3A_17, %add3A_15 : vector<16384xf32>
    %sub3A = arith.constant 5.000000e-01 : f32
    %sub3A_19 = vector.broadcast %sub3A : f32 to vector<16384xf32>
    %sub3A_20 = arith.subf %div3A_18, %sub3A_19 : vector<16384xf32>
    %mul3A = arith.constant 8.000000e+00 : f32
    %mul3A_21 = vector.broadcast %mul3A : f32 to vector<16384xf32>
    %mul3A_22 = arith.mulf %mul3A_21, %sub3A_20 : vector<16384xf32>
    %get3A_23 = arith.constant 0 : index
    %get3A_24 = vector.load %arg2[%get3A_23] : memref<16384xf32, #tpu.memory_space<vmem>>, vector<16384xf32>
    %neg3A_25 = arith.constant 0.000000e+00 : f32
    %neg3A_26 = vector.broadcast %neg3A_25 : f32 to vector<16384xf32>
    %neg3A_27 = arith.subf %neg3A_26, %get3A_24 : vector<16384xf32>
    %exp3A_28 = math.exp %neg3A_27 : vector<16384xf32>
    %add3A_29 = arith.constant 1.000000e+00 : f32
    %add3A_30 = vector.broadcast %add3A_29 : f32 to vector<16384xf32>
    %add3A_31 = arith.addf %add3A_30, %exp3A_28 : vector<16384xf32>
    %div3A_32 = arith.constant 1.000000e+00 : f32
    %div3A_33 = vector.broadcast %div3A_32 : f32 to vector<16384xf32>
    %div3A_34 = arith.divf %div3A_33, %add3A_31 : vector<16384xf32>
    %sub3A_35 = arith.constant 5.000000e-01 : f32
    %sub3A_36 = vector.broadcast %sub3A_35 : f32 to vector<16384xf32>
    %sub3A_37 = arith.subf %div3A_34, %sub3A_36 : vector<16384xf32>
    %mul3A_38 = arith.constant 8.000000e+00 : f32
    %mul3A_39 = vector.broadcast %mul3A_38 : f32 to vector<16384xf32>
    %mul3A_40 = arith.mulf %mul3A_39, %sub3A_37 : vector<16384xf32>
    %get3A_41 = arith.constant 0 : index
    %get3A_42 = vector.load %arg1[%get3A_41] : memref<16384xf32, #tpu.memory_space<vmem>>, vector<16384xf32>
    %neg3A_43 = arith.constant 0.000000e+00 : f32
    %neg3A_44 = vector.broadcast %neg3A_43 : f32 to vector<16384xf32>
    %neg3A_45 = arith.subf %neg3A_44, %get3A_42 : vector<16384xf32>
    %exp3A_46 = math.exp %neg3A_45 : vector<16384xf32>
    %add3A_47 = arith.constant 1.000000e+00 : f32
    %add3A_48 = vector.broadcast %add3A_47 : f32 to vector<16384xf32>
    %add3A_49 = arith.addf %add3A_48, %exp3A_46 : vector<16384xf32>
    %div3A_50 = arith.constant 1.000000e+00 : f32
    %div3A_51 = vector.broadcast %div3A_50 : f32 to vector<16384xf32>
    %div3A_52 = arith.divf %div3A_51, %add3A_49 : vector<16384xf32>
    %mul3A_53 = arith.constant 3.000000e+00 : f32
    %mul3A_54 = vector.broadcast %mul3A_53 : f32 to vector<16384xf32>
    %mul3A_55 = arith.mulf %mul3A_54, %div3A_52 : vector<16384xf32>
    %sub3A_56 = arith.constant 1.000000e+00 : f32
    %sub3A_57 = vector.broadcast %sub3A_56 : f32 to vector<16384xf32>
    %sub3A_58 = arith.subf %sub3A_57, %div3A_8 : vector<16384xf32>
    %mul3A_59 = arith.constant -1.702000e+00 : f32
    %mul3A_60 = vector.broadcast %mul3A_59 : f32 to vector<16384xf32>
    %mul3A_61 = arith.mulf %mul3A_60, %mul3A_55 : vector<16384xf32>
    %sub3A_62 = arith.subf %mul3A_22, %mul3A_40 : vector<16384xf32>
    %mul3A_63 = arith.mulf %mul3A_61, %sub3A_62 : vector<16384xf32>
    %exp3A_64 = math.exp %mul3A_63 : vector<16384xf32>
    %add3A_65 = arith.constant 1.000000e+00 : f32
    %add3A_66 = vector.broadcast %add3A_65 : f32 to vector<16384xf32>
    %add3A_67 = arith.addf %add3A_66, %exp3A_64 : vector<16384xf32>
    %div3A_68 = arith.divf %sub3A_58, %add3A_67 : vector<16384xf32>
    %add3A_69 = arith.addf %div3A_8, %div3A_68 : vector<16384xf32>
    %swap3A = arith.constant 0 : index
    %swap3A_70 = vector.load %arg12[%swap3A] : memref<16384xf32, #tpu.memory_space<vmem>>, vector<16384xf32>
    tpu.vector_store %arg12[%swap3A], %add3A_69 {strides = array<i32>} : memref<16384xf32, #tpu.memory_space<vmem>>, vector<16384xf32>,
    %reshape3A = vector.shape_cast %get3A_0 : vector<16384xf32> to vector<16384x1xf32>
    %get3A_71 = arith.constant 0 : index
    %get3A_72 = arith.constant 0 : index
    %get3A_73 = vector.load %arg4[%get3A_71, %get3A_72] : memref<1x64xf32, #tpu.memory_space<vmem>>, vector<1x64xf32>
    %mul3A_74 = vector.broadcast %reshape3A : vector<16384x1xf32> to vector<16384x64xf32>
    %mul3A_75 = vector.broadcast %get3A_73 : vector<1x64xf32> to vector<16384x64xf32>
    %mul3A_76 = arith.mulf %mul3A_74, %mul3A_75 : vector<16384x64xf32>
    %get3A_77 = arith.constant 0 : index
    %get3A_78 = arith.constant 0 : index
    %get3A_79 = vector.load %arg5[%get3A_77, %get3A_78] : memref<1x64xf32, #tpu.memory_space<vmem>>, vector<1x64xf32>
    %add3A_80 = vector.broadcast %get3A_79 : vector<1x64xf32> to vector<16384x64xf32>
    %add3A_81 = arith.addf %mul3A_76, %add3A_80 : vector<16384x64xf32>
    %max3A = arith.constant 0.000000e+00 : f32
    %max3A_82 = vector.broadcast %max3A : f32 to vector<16384x64xf32>
    %max3A_83 = arith.maximumf %add3A_81, %max3A_82 : vector<16384x64xf32>
    %get3A_84 = arith.constant 0 : index
    %get3A_85 = arith.constant 0 : index
    %get3A_86 = vector.load %arg6[%get3A_84, %get3A_85] : memref<64x32xf32, #tpu.memory_space<vmem>>, vector<64x32xf32>
    %dot_general3A = arith.constant dense<0.000000e+00> : vector<16384x32xf32>
    %dot_general3A_87 = tpu.matmul %max3A_83, %get3A_86, %dot_general3A {dimension_numbers = #tpu.dot_dimension_numbers<[1], [0], [0], [1], [0, 0, 1, 1], [], []>, transpose_lhs_hint = false} : vector<16384x64xf32>, vector<64x32xf32>, vector<16384x32xf32> -> vector<16384x32xf32>
    %get3A_88 = arith.constant 0 : index
    %get3A_89 = arith.constant 0 : index
    %get3A_90 = vector.load %arg7[%get3A_88, %get3A_89] : memref<1x32xf32, #tpu.memory_space<vmem>>, vector<1x32xf32>
    %add3A_91 = vector.broadcast %get3A_90 : vector<1x32xf32> to vector<16384x32xf32>
    %add3A_92 = arith.addf %dot_general3A_87, %add3A_91 : vector<16384x32xf32>
    %max3A_93 = arith.constant 0.000000e+00 : f32
    %max3A_94 = vector.broadcast %max3A_93 : f32 to vector<16384x32xf32>
    %max3A_95 = arith.maximumf %add3A_92, %max3A_94 : vector<16384x32xf32>
    %get3A_96 = arith.constant 0 : index
    %get3A_97 = arith.constant 0 : index
    %get3A_98 = vector.load %arg8[%get3A_96, %get3A_97] : memref<1x32xf32, #tpu.memory_space<vmem>>, vector<1x32xf32>
    %dot_general3A_99 = arith.constant dense<0.000000e+00> : vector<1x16384xf32>
    %dot_general3A_100 = tpu.matmul %get3A_98, %max3A_95, %dot_general3A_99 {dimension_numbers = #tpu.dot_dimension_numbers<[1], [1], [0], [0], [0, 0, 1, 0], [], []>, transpose_lhs_hint = false} : vector<1x32xf32>, vector<16384x32xf32>, vector<1x16384xf32> -> vector<1x16384xf32>
    %reshape3A_101 = vector.shape_cast %dot_general3A_100 : vector<1x16384xf32> to vector<16384xf32>
    %get3A_102 = arith.constant 0 : index
    %get3A_103 = arith.constant 0 : index
    %get3A_104 = vector.load %arg9[%get3A_102, %get3A_103] : memref<1x1xf32, #tpu.memory_space<vmem>>, vector<1x1xf32>
    %get3A_105 = vector.extract %get3A_104[0, 0] : f32 from vector<1x1xf32>
    %add3A_106 = vector.broadcast %get3A_105 : f32 to vector<16384xf32>
    %add3A_107 = arith.addf %reshape3A_101, %add3A_106 : vector<16384xf32>
    %get3A_108 = arith.constant 0 : index
    %get3A_109 = arith.constant 0 : index
    %get3A_110 = vector.load %arg10[%get3A_108, %get3A_109] : memref<1x1xf32, #tpu.memory_space<vmem>>, vector<1x1xf32>
    %get3A_111 = vector.extract %get3A_110[0, 0] : f32 from vector<1x1xf32>
    %mul3A_112 = vector.broadcast %get3A_111 : f32 to vector<16384xf32>
    %mul3A_113 = arith.mulf %add3A_107, %mul3A_112 : vector<16384xf32>
    %get3A_114 = arith.constant 0 : index
    %get3A_115 = arith.constant 0 : index
    %get3A_116 = vector.load %arg11[%get3A_114, %get3A_115] : memref<1x1xf32, #tpu.memory_space<vmem>>, vector<1x1xf32>
    %get3A_117 = vector.extract %get3A_116[0, 0] : f32 from vector<1x1xf32>
    %add3A_118 = vector.broadcast %get3A_117 : f32 to vector<16384xf32>
    %add3A_119 = arith.addf %mul3A_113, %add3A_118 : vector<16384xf32>
    %swap3A_120 = arith.constant 0 : index
    %swap3A_121 = vector.load %arg13[%swap3A_120] : memref<16384xf32, #tpu.memory_space<vmem>>, vector<16384xf32>
    tpu.vector_store %arg13[%swap3A_120], %add3A_119 {strides = array<i32>} : memref<16384xf32, #tpu.memory_space<vmem>>, vector<16384xf32>,
    return
  }
}

</mosaic_0001>

<sc_bundles>
// kernel: kernel.5.cloned.1.call-start
scs
__scs_entry_jumppad:
0x0: {  	(pc) =	sbr.rel $0x88, $3  }
0x1: {  	(tag) =	ssettag $0x0;
	lr =	simm.s32 $0x1  }
0x2: {  	[smem:$0x3F93] =	sst lr;
	_ =	strace $0xD0000000  }
0x3: {  	_ = 	snop  }
0x4: {  	_ = 	snop  }
0x5: {  	_ = 	snop  }
0x6: {  	_ = 	snop  }
0x7: {  	_ = 	snop  }
__scs_overlays_trampoline_lowered:
0x8: {  	[smem:$0x3FA2] =	sst s0  }
0x9: {  	[smem:$0x3FA3] =	sst s1  }
0xa: {  	[smem:$0x3FA4] =	sst s2  }
0xb: {  	[smem:$0x3FA5] =	sst s3  }
0xc: {  	[smem:$0x3FA6] =	sst s4  }
0xd: {  	[smem:$0x3FA7] =	sst s5  }
0xe: {  	[smem:$0x3FA8] =	sst s6  }
0xf: {  	[smem:$0x3FA9] =	sst s7  }
0x10: {  	[smem:$0x3FAA] =	sst s8  }
0x11: {  	[smem:$0x3FAB] =	sst s9;
	s0 =	simm.s32 @!p0 $0x0  }
0x12: {  	s1 =	sld [smem:$0x3F91];
	s0 =	simm.s32 @p0 $0x1  }
0x13: {  	[smem:$0x3FAC] =	sst s0;
	s0 =	simm.s32 @!p1 $0x0  }
0x14: {  	s2 =	sld [smem:$0x3F90];
	s0 =	simm.s32 @p1 $0x1  }
0x15: {  	[smem:$0x3FAD] =	sst s0;
	s0 =	simm.s32 @!p2 $0x0  }
0x16: {  	s3 =	sld [smem:$0x3FDB];
	s0 =	simm.s32 @p2 $0x1  }
0x17: {  	s4 =	simm.s32 $0x1BF5;
	[smem:$0x3FAF] =	sst s0  }
0x18: {  	s0 =	sld [smem:$0x3F92];
	_ =	swait.ge [sflag:s4], $0x0  }
0x19: {  	s7 =	sld [smem:$0x3F93]  }
0x1a: {  	s8 =	sadd.s32 $0xFFFFE003, lr  }
0x1b: {  	s9 =	sadd.s32 $0xFFFFFEF7, lr;
	s5 =	simm.s32 $0xFFFFFFFF;
	p2 =	slt.u32 s8, $0xFFFFF086  }
0x1c: {  	p1 =	slt.u32 s9, $0xF7A;
	s5 =	simm.s32 @!p2 $0x0  }
0x1d: {  	s5 =	simm.s32 @p1 $0x1;
	p0 =	seq.s32 s7, s2  }
0x1e: {  	s7 =	smul.u32 @!p0 $0xF7A, s2;
	p2 =	seq.s32 @!p0 s5, $0x0  }
0x1f: {  	s9 =	smul.u32 $0xF7A, s1;
	s8 =	simm.s32 @!p0 $0x1BF5;
	p2 =	por !p2, p0  }
0x20: {  	[sflag:s8] =	ssyncset.s32 @!p0 $0xFFFFF086;
	s6 =	sadd.s32 @!p0 s3, s7;
	s7 =	simm.s32 @!p0 $0x108  }
0x21: {  	s3 =	sadd.s32 s3, s9;
	s6 =	sadd.s32 @!p0 $0x88, s6;
	s7 =	simm.s32 @p2 $0x1082  }
0x22: {  	[simem:s7], [sflag:s8] =	dma.local @!p0 [hbm:s6], $0xF7A  }
0x23: {  	s9 =	sor.u32 $0xD0000000, s2;
	s6 =	simm.s32 $0x108;
	_ =	swait.ge @!p0 [sflag:s8], $0x0  }
0x24: {  	s3 =	sadd.s32 $0x88, s3;
	s6 =	simm.s32 @!p1 $0x1082;
	[sflag:s4] =	ssyncset.s32 $0xFFFFF086  }
0x25: {  	[simem:s6], [sflag:s4] =	dma.local [hbm:s3], $0xF7A  }
0x26: {  	[smem:$0x3F93] =	sst s1;
	(tag) =	ssettag s2;
	_ =	strace s9  }
0x27: {  	s1 =	sld [smem:$0x3FA3]  }
0x28: {  	s2 =	sld [smem:$0x3FA4]  }
0x29: {  	s4 =	sld [smem:$0x3FA6]  }
0x2a: {  	p0 =	seq.s32 s5, $0x0;
	s5 =	sld [smem:$0x3FA7]  }
0x2b: {  	s6 =	sld [smem:$0x3FA8]  }
0x2c: {  	s7 =	sld [smem:$0x3FA9]  }
0x2d: {  	s3 =	simm.s32 $0x108;
	s8 =	sld [smem:$0x3FAA]  }
0x2e: {  	s3 =	simm.s32 @!p0 $0x1082;
	s9 =	sld [smem:$0x3FAB]  }
0x2f: {  	lr =	sadd.s32 s0, s3;
	s0 =	sld [smem:$0x3FA2]  }
0x30: {  	s3 =	sld [smem:$0x3FA5]  }
0x31: {  	[smem:$0x3FAE] =	sst s10  }
0x32: {  	s10 =	sld [smem:$0x3FAC];
	_ =	sdelay $0x3  }
0x33: {  	p0 =	seq.s32 s10, $0x1;
	s10 =	sld [smem:$0x3FAE];
	_ =	sdelay $0x3  }
0x34: {  	[smem:$0x3FAE] =	sst s10  }
0x35: {  	s10 =	sld [smem:$0x3FAD];
	_ =	sdelay $0x3  }
0x36: {  	p1 =	seq.s32 s10, $0x1;
	s10 =	sld [smem:$0x3FAE];
	_ =	sdelay $0x3  }
0x37: {  	[smem:$0x3FAE] =	sst s10  }
0x38: {  	s10 =	sld [smem:$0x3FAF]  }
0x39: {  	_ = 	snop;
	(pc) =	sbr.ind lr, $3  }
0x3a: {  	_ = 	snop  }
0x3b: {  	_ = 	snop  }
0x3c: {  	p2 =	seq.s32 s10, $0x1;
	s10 =	sld [smem:$0x3FAE]  }
0x3d: {  	_ =	shalt  }
0x3e: {  	_ =	shalt  }
0x3f: {  	_ =	shalt  }
0x40: {  	_ =	shalt  }
0x41: {  	_ =	shalt  }
0x42: {  	_ =	shalt  }
0x43: {  	_ =	shalt  }
0x44: {  	_ =	shalt  }
0x45: {  	_ =	shalt  }
0x46: {  	_ =	shalt  }
0x47: {  	_ =	shalt  }
0x48: {  	_ =	shalt  }
0x49: {  	_ =	shalt  }
0x4a: {  	_ =	shalt  }
0x4b: {  	_ =	shalt  }
0x4c: {  	_ =	shalt  }
0x4d: {  	_ =	shalt  }
0x4e: {  	_ =	shalt  }
0x4f: {  	_ =	shalt  }
0x50: {  	_ =	shalt  }
0x51: {  	_ =	shalt  }
0x52: {  	_ =	shalt  }
0x53: {  	_ =	shalt  }
0x54: {  	_ =	shalt  }
0x55: {  	_ =	shalt  }
0x56: {  	_ =	shalt  }
0x57: {  	_ =	shalt  }
0x58: {  	_ =	shalt  }
0x59: {  	_ =	shalt  }
0x5a: {  	_ =	shalt  }
0x5b: {  	_ =	shalt  }
0x5c: {  	_ =	shalt  }
0x5d: {  	_ =	shalt  }
0x5e: {  	_ =	shalt  }
0x5f: {  	_ =	shalt  }
0x60: {  	_ =	shalt  }
0x61: {  	_ =	shalt  }
0x62: {  	_ =	shalt  }
0x63: {  	_ =	shalt  }
0x64: {  	_ =	shalt  }
0x65: {  	_ =	shalt  }
0x66: {  	_ =	shalt  }
0x67: {  	_ =	shalt  }
0x68: {  	_ =	shalt  }
0x69: {  	_ =	shalt  }
0x6a: {  	_ =	shalt  }
0x6b: {  	_ =	shalt  }
0x6c: {  	_ =	shalt  }
0x6d: {  	_ =	shalt  }
0x6e: {  	_ =	shalt  }
0x6f: {  	_ =	shalt  }
0x70: {  	_ =	shalt  }
0x71: {  	_ =	shalt  }
0x72: {  	_ =	shalt  }
0x73: {  	_ =	shalt  }
0x74: {  	_ =	shalt  }
0x75: {  	_ =	shalt  }
0x76: {  	_ =	shalt  }
0x77: {  	_ =	shalt  }
0x78: {  	_ =	shalt  }
0x79: {  	_ =	shalt  }
0x7a: {  	_ =	shalt  }
0x7b: {  	_ =	shalt  }
0x7c: {  	_ =	shalt  }
0x7d: {  	_ =	shalt  }
0x7e: {  	_ =	shalt  }
0x7f: {  	_ =	shalt  }
0x80: {  	_ =	shalt  }
0x81: {  	_ =	shalt  }
0x82: {  	_ =	shalt  }
0x83: {  	_ =	shalt  }
0x84: {  	_ =	shalt  }
0x85: {  	_ =	shalt  }
0x86: {  	_ =	shalt  }
0x87: {  	_ =	shalt  }
.Lfunc_end0:
.L_simem_size_0:
called_computation_lowered:
.L_overlay_start_0:
0x88: {  	s2 =	sld [smem:$0x3FD9]  }
0x89: {  	s3 =	sld [smem:$0x3FFE];
	_ =	sdelay $0x1  }
0x8a: {  	s1 =	srdreg.scid  }
0x8b: {  	s0 =	sand.u32 $0x1, s1  }
0x8c: {  	s14 =	sshll.u32 s0, $0xA;
	s2 =	sadd.s32 s3, s2  }
0x8d: {  	s2 =	sadd.s32 s2, s14  }
0x8e: {  	[smem:$0x3FBA] =	sst s2  }
0x8f: {  	_ = 	snop  }
0x90: {  	s2 =	sld [smem:$0x3FD0];
	_ =	sdelay $0x2  }
0x91: {  	s4 =	simm.s32 $0xB;
	s5 =	simm.s32 $0x10;
	s15 =	sld [smem:$0x3FC8]  }
0x92: {  	[smem:s5], [sflag:s4] =	dma.local [hbm:s2], $0x1  }
0x93: {  	_ =	swait.eq [sflag:s4], $0x1  }
0x94: {  	[sflag:s4] =	ssyncset.done $0x0  }
0x95: {  	[sflag:s4] =	ssyncadd.s32 $0xFFFFFFFF  }
0x96: {  	s16 =	sld [smem:$0x10];
	(tm) =	ssettm $0x1  }
0x97: {  	s17 =	sld [smem:$0x3FFB];
	_ =	sdelay $0x3  }
0x98: {  	_ =	strace s17  }
0x99: {  	s4 =	sld [smem:$0x3FFC];
	_ =	sdelay $0x3  }
0x9a: {  	_ =	strace s4  }
0x9b: {  	s4 =	sld [smem:$0x3FFD];
	_ =	sdelay $0x3  }
0x9c: {  	_ =	strace s4  }
0x9d: {  	_ =	strace $0x8FFFFFFF  }
0x9e: {  	s18 =	sld [smem:$0x3FDB];
	_ =	sdelay $0x1  }
0x9f: {  	s19 =	simm.s32 $_scs_section_size  }
0xa0: {  	s6 =	simm.s32 $_size__tile_overlayer_lowered;
	s7 =	simm.s32 $_tile_overlayer_lowered  }
0xa1: {  	s22 =	simm.s32 $0x1BFF;
	s21 =	sshll.u32 s7, $0x1;
	s4 =	sadd.s32 s19, s18  }
0xa2: {  	s8 =	simm.s32 $0x0;
	s20 =	sshll.u32 s6, $0x1;
	s6 =	sadd.s32 s21, s4  }
0xa3: {  	[timem:s8], [sflag:s22] =	dma.local [hbm:s6], s20  }
0xa4: {  	_ =	swait.ge [sflag:s22], s20  }
0xa5: {  	s5 =	ssub.s32 $0x0, s20;
	[sflag:s22] =	ssyncset.done $0x0  }
0xa6: {  	[sflag:s22] =	ssyncadd.s32 s5;
	_ =	sdelay $0x1  }
0xa7: {  	s23 =	simm.s32 $0x1B8B  }
0xa8: {  	_ =	swait.ge [sflag:s23], $0x1  }
0xa9: {  	[sflag:s23] =	ssyncset.done $0x0  }
0xaa: {  	s25 =	simm.s32 $0x1B8E;
	s24 =	sld [smem:$0x3FFE];
	[sflag:s23] =	ssyncadd.s32 $0xFFFFFFFF  }
0xab: {  	s26 =	simm.s32 $execute0_lowered;
	[smem:$0x3FD2] =	sst s25  }
0xac: {  	s6 =	sshll.u32 s26, $0x1;
	_ =	strace $0x80000046;
	[dreg:$0x1] =	wrdreg $0xFFFFFFFF  }
0xad: {  	s28 =	simm.s32 $_size_execute0_lowered;
	s4 =	sadd.s32 s4, s6;
	[dreg:$0x0] =	wrdreg $0x0  }
0xae: {  	s6 =	sshll.u32 s28, $0x1;
	[dreg:$0x2] =	wrdreg s4  }
0xaf: {  	[dreg:$0x3] =	wrdreg s6  }
0xb0: {  	[dreg:$0x4] =	wrdreg $0xC0  }
0xb1: {  	_ =	task [dreg:s8], $0x5FFFF  }
0xb2: {  	[dreg:$0x1] =	wrdreg $0xFFFFFFFF  }
0xb3: {  	[dreg:$0x0] =	wrdreg $0x60  }
0xb4: {  	[dreg:$0x2] =	wrdreg s15  }
0xb5: {  	[dreg:$0x3] =	wrdreg s24  }
0xb6: {  	[dreg:$0x4] =	wrdreg s16  }
0xb7: {  	[dreg:$0x5] =	wrdreg $0x9  }
0xb8: {  	_ =	task.clear_ibuf [dreg:s8], $0x6FFFF;
	_ =	strace $0x90000046  }
0xb9: {  	s29 =	simm.s32 $0x9;
	_ =	strace $0x80000048  }
0xba: {  	_ =	swait.ge [sflag:s29], $0x1  }
0xbb: {  	[sflag:s29] =	ssyncadd.s32 $0xFFFFFFFF  }
0xbc: {  	_ =	strace $0x90000048  }
0xbd: {  	_ =	sfence  }
0xbe: {  	s30 =	sld [smem:$0x0];
	_ =	sdelay $0x2  }
0xbf: {  	s31 =	sshll.u32 s1, $0xD;
	s1 =	sshrl.u32 s1, $0x2  }
0xc0: {  	s3 =	sand.u32 $0x4000, s31;
	s1 =	sadd.s32 s1, s30  }
0xc1: {  	s0 =	sor.u32 s3, s0;
	s1 =	sshll.u32 s1, $0x11  }
0xc2: {  	s0 =	sor.u32 s1, s0  }
0xc3: {  	s0 =	sadd.s32 $0x8F2B, s0  }
0xc4: {  	[sflag:s0] =	ssyncadd.remote.s32 $0x1  }
0xc5: {  	_ =	sfence.sel $0xFFFF  }
0xc6: {  	[dreg:$0x0] =	wrdreg $0xFFFFFFFF;
	(pc) =	sbr.abs _section_cstart, $3  }
0xc7: {  	[dreg:$0x1] =	wrdreg $0xFFFFFFFF  }
0xc8: {  	_ =	task.clear_ibuf [dreg:s8], $0x2FFFF;
	_ =	strace $0x9FFFFFFF  }
0xc9: {  	(tm) =	ssettm $0x7FFFFFFF  }
tec
execute0_lowered:
.L_overlay_start_1:
0x0: {  	(tag) =	ssettag $0x1  }
0x1: {  	s3 =	rddreg [dreg:$0x0]  }
0x2: {  	s12 =	rddreg [dreg:$0x1]  }
0x3: {  	s13 =	rddreg [dreg:$0x2];
	s2 =	srdreg.scid  }
0x4: {  	s0 =	rddreg [dreg:$0x3];
	s1 =	stileid.u32;
	s15 =	sand.u32 $0x1, s2  }
0x5: {  	s2 =	simm.s32 $0x0;
	s4 =	sshll.u32 s1, $0x7;
	s5 =	sshll.u32 s15, $0x6  }
0x6: {  	[smem:$0x7FF] =	sst s2;
	s14 =	sor.u32 s5, s4  }
0x7: {  	_ =	strace $0x80000047;
	s4 =	simm.s32 $0x2;
	s3 =	sadd.s32 s3, s14  }
0x8: {  	[tilespmem:s2], [sflag:$0x2] =	stream.linear.gather [hbm4b:s3+s2], $0x200, $0x38;
	[tilespmem:$0x800] =	vst v63  }
0x9: {  	_ =	swait.ge [sflag:s4], $0x200  }
0xa: {  	[sflag:s4] =	ssyncset.done $0x0  }
0xb: {  	s6 =	simm.s32 $0x200;
	s5 =	sadd.s32 $0xC00, s12;
	[sflag:s4] =	ssyncadd.s32 $0xFFFFFE00  }
0xc: {  	[tilespmem:s6], [sflag:$0x1] =	stream.indirect.gather [hbm4b:s5+s6], $0x1, s2, s6, $0xb8;
	[tilespmem:$0x800] =	vst v63  }
0xd: {  	s8 =	simm.s32 $0x400;
	s7 =	sadd.s32 $0x3E00, s12  }
0xe: {  	[tilespmem:s8], [sflag:$0x1] =	stream.indirect.gather [hbm4b:s7+s6], $0x1, s2, s6, $0xb8;
	[tilespmem:$0x800] =	vst v63  }
0xf: {  	s11 =	simm.s32 $0x600;
	s10 =	simm.s32 $0x1;
	s9 =	sadd.s32 $0x7000, s12  }
0x10: {  	[tilespmem:s11], [sflag:$0x1] =	stream.indirect.gather [hbm4b:s9+s6], $0x1, s2, s6, $0xb8;
	[tilespmem:$0x800] =	vst v63  }
0x11: {  	_ =	swait.ge [sflag:s10], $0x200  }
0x12: {  	[sflag:s10] =	ssyncset.done $0x0  }
0x13: {  	[sflag:s10] =	ssyncadd.s32 $0xFFFFFE00  }
0x14: {  	_ =	swait.ge [sflag:s10], $0x200  }
0x15: {  	[sflag:s10] =	ssyncset.done $0x0  }
0x16: {  	[sflag:s10] =	ssyncadd.s32 $0xFFFFFE00  }
0x17: {  	_ =	swait.ge [sflag:s10], $0x200  }
0x18: {  	[sflag:s10] =	ssyncset.done $0x0  }
0x19: {  	s16 =	sadd.s32 s14, s12;
	s12 =	sadd.s32 s13, s14;
	[sflag:s10] =	ssyncadd.s32 $0xFFFFFE00  }
0x1a: {  	[hbm4b:s12+s2] =	stream.linear.scatter [tilespmem:s6], [sflag:$0x1], $0x200, $0x38;
	[tilespmem:$0x800] =	vst v63  }
0x1b: {  	s15 =	ssub.s32 $0x2, s15;
	s13 =	sadd.s32 $0xA200, s16  }
0x1c: {  	[hbm4b:s13+s2] =	stream.linear.scatter [tilespmem:s8], [sflag:$0x1], $0x200, $0x38;
	[tilespmem:$0x800] =	vst v63  }
0x1d: {  	s31 =	sshrl.u32 s15, $0x1;
	s14 =	sadd.s32 $0xAA00, s16  }
0x1e: {  	[hbm4b:s14+s2] =	stream.linear.scatter [tilespmem:s11], [sflag:$0x1], $0x200, $0x38;
	[tilespmem:$0x800] =	vst v63  }
0x1f: {  	s15 =	ssub.s32 s15, s31;
	_ =	swait.ge [sflag:s10], $0x200  }
0x20: {  	s15 =	smax.u32 s15, $0x1;
	[sflag:s10] =	ssyncset.done $0x0  }
0x21: {  	p0 =	sne.s32 s15, $0x1;
	[sflag:s10] =	ssyncadd.s32 $0xFFFFFE00  }
.Ltmp0:
0x22: {  	_ =	swait.ge [sflag:s10], $0x200;
	(pc) =	sbr.rel @!p0 .LBB2_2-.Ltmp0, $4  }
0x23: {  	[sflag:s10] =	ssyncset.done $0x0  }
0x24: {  	[sflag:s10] =	ssyncadd.s32 $0xFFFFFE00  }
0x25: {  	_ =	swait.ge [sflag:s10], $0x200  }
0x26: {  	s15 =	sadd.s32 $0xFFFFFFFF, s15;
	[sflag:s10] =	ssyncset.done $0x0  }
.LBB2_1:
0x27: {  	p0 =	sne.s32 s15, $0x1;
	s15 =	sadd.s32 $0xFFFFFFFF, s15;
	[sflag:s10] =	ssyncadd.s32 $0xFFFFFE00  }
0x28: {  	[tilespmem:s2], [sflag:$0x2] =	stream.linear.gather [hbm4b:s3+s2], $0x200, $0x38;
	[tilespmem:$0x800] =	vst v63  }
0x29: {  	_ =	swait.ge [sflag:s4], $0x200  }
0x2a: {  	[sflag:s4] =	ssyncset.done $0x0  }
0x2b: {  	[sflag:s4] =	ssyncadd.s32 $0xFFFFFE00  }
0x2c: {  	[tilespmem:s6], [sflag:$0x1] =	stream.indirect.gather [hbm4b:s5+s6], $0x1, s2, s6, $0xb8;
	[tilespmem:$0x800] =	vst v63  }
0x2d: {  	_ = 	snop  }
0x2e: {  	[tilespmem:s8], [sflag:$0x1] =	stream.indirect.gather [hbm4b:s7+s6], $0x1, s2, s6, $0xb8;
	[tilespmem:$0x800] =	vst v63  }
0x2f: {  	_ = 	snop  }
0x30: {  	[tilespmem:s11], [sflag:$0x1] =	stream.indirect.gather [hbm4b:s9+s6], $0x1, s2, s6, $0xb8;
	[tilespmem:$0x800] =	vst v63  }
0x31: {  	_ =	swait.ge [sflag:s10], $0x200  }
0x32: {  	[sflag:s10] =	ssyncset.done $0x0  }
0x33: {  	[sflag:s10] =	ssyncadd.s32 $0xFFFFFE00  }
0x34: {  	_ =	swait.ge [sflag:s10], $0x200  }
0x35: {  	[sflag:s10] =	ssyncset.done $0x0  }
0x36: {  	[sflag:s10] =	ssyncadd.s32 $0xFFFFFE00  }
0x37: {  	_ =	swait.ge [sflag:s10], $0x200  }
0x38: {  	[sflag:s10] =	ssyncset.done $0x0  }
0x39: {  	[sflag:s10] =	ssyncadd.s32 $0xFFFFFE00  }
0x3a: {  	[hbm4b:s12+s2] =	stream.linear.scatter [tilespmem:s6], [sflag:$0x1], $0x200, $0x38;
	[tilespmem:$0x800] =	vst v63  }
0x3b: {  	_ = 	snop  }
0x3c: {  	[hbm4b:s13+s2] =	stream.linear.scatter [tilespmem:s8], [sflag:$0x1], $0x200, $0x38;
	[tilespmem:$0x800] =	vst v63  }
0x3d: {  	_ = 	snop  }
0x3e: {  	[hbm4b:s14+s2] =	stream.linear.scatter [tilespmem:s11], [sflag:$0x1], $0x200, $0x38;
	[tilespmem:$0x800] =	vst v63  }
0x3f: {  	_ =	swait.ge [sflag:s10], $0x200  }
0x40: {  	[sflag:s10] =	ssyncset.done $0x0  }
0x41: {  	[sflag:s10] =	ssyncadd.s32 $0xFFFFFE00  }
.Ltmp1:
0x42: {  	_ =	swait.ge [sflag:s10], $0x200;
	(pc) =	sbr.rel @p0 .LBB2_1-.Ltmp1, $4  }
0x43: {  	[sflag:s10] =	ssyncset.done $0x0  }
0x44: {  	[sflag:s10] =	ssyncadd.s32 $0xFFFFFE00  }
0x45: {  	_ =	swait.ge [sflag:s10], $0x200  }
0x46: {  	[sflag:s10] =	ssyncset.done $0x0  }
.LBB2_2:
0x47: {  	[sflag:s10] =	ssyncadd.s32 $0xFFFFFE00  }
0x48: {  	_ =	sfence.sel $0x180000  }
0x49: {  	[bflag:$0x0] =	sbarrier.arrive $0xFFFF  }
0x4a: {  	p0 =	sne.s32 s1, $0x0;
	_ =	strace $0x90000047  }
0x4b: {  	s0 =	sadd.s32 @!p0 $0x100000, s0;
	[bflag:$0x2] =	sbarrier.arrive $0xFFFF  }
0x4c: {  	[sflag:s0] =	ssyncadd.tile.s32 @!p0 $0x1;
	_ =	shalt  }
.Lfunc_end2:
_tile_overlayer_lowered:
.L_overlay_start_2:
0x4d: {  	(tag) =	ssettag $0x2  }
0x4e: {  	s0 =	rddreg [dreg:$0x0];
	s2 =	stileid.u32  }
0x4f: {  	s1 =	rddreg [dreg:$0x1];
	p0 =	sne.s32 s2, $0x0  }
0x50: {  	s3 =	rddreg [dreg:$0x2];
	[bflag:$0x3] =	sbarrier.arrive $0xFFFF;
	s2 =	simm.s32 @!p0 $0x1C02  }
0x51: {  	[timem:s3], [sflag:s2] =	dma.local @!p0 [hbm:s0], s1  }
0x52: {  	s0 =	simm.s32 @!p0 $0x2  }
0x53: {  	_ =	swait.ge @!p0 [sflag:s0], s1  }
0x54: {  	s1 =	ssub.s32 @!p0 $0x0, s1;
	[sflag:s0] =	ssyncset.done @!p0 $0x0  }
0x55: {  	[sflag:s0] =	ssyncadd.s32 @!p0 s1  }
0x56: {  	[bflag:$0x3] =	sbarrier.arrive $0xFFFF  }
0x57: {  	_ =	shalt  }

// kernel: kernel.8.cloned.1.call-start
scs
__scs_entry_jumppad:
0x0: {  	(pc) =	sbr.rel $0x88, $3  }
0x1: {  	(tag) =	ssettag $0x0;
	lr =	simm.s32 $0x1  }
0x2: {  	[smem:$0x3F93] =	sst lr;
	_ =	strace $0xD0000000  }
0x3: {  	_ = 	snop  }
0x4: {  	_ = 	snop  }
0x5: {  	_ = 	snop  }
0x6: {  	_ = 	snop  }
0x7: {  	_ = 	snop  }
__scs_overlays_trampoline_lowered:
0x8: {  	[smem:$0x3FA2] =	sst s0  }
0x9: {  	[smem:$0x3FA3] =	sst s1  }
0xa: {  	[smem:$0x3FA4] =	sst s2  }
0xb: {  	[smem:$0x3FA5] =	sst s3  }
0xc: {  	[smem:$0x3FA6] =	sst s4  }
0xd: {  	[smem:$0x3FA7] =	sst s5  }
0xe: {  	[smem:$0x3FA8] =	sst s6  }
0xf: {  	[smem:$0x3FA9] =	sst s7  }
0x10: {  	[smem:$0x3FAA] =	sst s8  }
0x11: {  	[smem:$0x3FAB] =	sst s9;
	s0 =	simm.s32 @!p0 $0x0  }
0x12: {  	s1 =	sld [smem:$0x3F91];
	s0 =	simm.s32 @p0 $0x1  }
0x13: {  	[smem:$0x3FAC] =	sst s0;
	s0 =	simm.s32 @!p1 $0x0  }
0x14: {  	s2 =	sld [smem:$0x3F90];
	s0 =	simm.s32 @p1 $0x1  }
0x15: {  	[smem:$0x3FAD] =	sst s0;
	s0 =	simm.s32 @!p2 $0x0  }
0x16: {  	s3 =	sld [smem:$0x3FDB];
	s0 =	simm.s32 @p2 $0x1  }
0x17: {  	s4 =	simm.s32 $0x1BF5;
	[smem:$0x3FAF] =	sst s0  }
0x18: {  	s0 =	sld [smem:$0x3F92];
	_ =	swait.ge [sflag:s4], $0x0  }
0x19: {  	s7 =	sld [smem:$0x3F93]  }
0x1a: {  	s8 =	sadd.s32 $0xFFFFE003, lr  }
0x1b: {  	s9 =	sadd.s32 $0xFFFFFEF7, lr;
	s5 =	simm.s32 $0xFFFFFFFF;
	p2 =	slt.u32 s8, $0xFFFFF086  }
0x1c: {  	p1 =	slt.u32 s9, $0xF7A;
	s5 =	simm.s32 @!p2 $0x0  }
0x1d: {  	s5 =	simm.s32 @p1 $0x1;
	p0 =	seq.s32 s7, s2  }
0x1e: {  	s7 =	smul.u32 @!p0 $0xF7A, s2;
	p2 =	seq.s32 @!p0 s5, $0x0  }
0x1f: {  	s9 =	smul.u32 $0xF7A, s1;
	s8 =	simm.s32 @!p0 $0x1BF5;
	p2 =	por !p2, p0  }
0x20: {  	[sflag:s8] =	ssyncset.s32 @!p0 $0xFFFFF086;
	s6 =	sadd.s32 @!p0 s3, s7;
	s7 =	simm.s32 @!p0 $0x108  }
0x21: {  	s3 =	sadd.s32 s3, s9;
	s6 =	sadd.s32 @!p0 $0x88, s6;
	s7 =	simm.s32 @p2 $0x1082  }
0x22: {  	[simem:s7], [sflag:s8] =	dma.local @!p0 [hbm:s6], $0xF7A  }
0x23: {  	s9 =	sor.u32 $0xD0000000, s2;
	s6 =	simm.s32 $0x108;
	_ =	swait.ge @!p0 [sflag:s8], $0x0  }
0x24: {  	s3 =	sadd.s32 $0x88, s3;
	s6 =	simm.s32 @!p1 $0x1082;
	[sflag:s4] =	ssyncset.s32 $0xFFFFF086  }
0x25: {  	[simem:s6], [sflag:s4] =	dma.local [hbm:s3], $0xF7A  }
0x26: {  	[smem:$0x3F93] =	sst s1;
	(tag) =	ssettag s2;
	_ =	strace s9  }
0x27: {  	s1 =	sld [smem:$0x3FA3]  }
0x28: {  	s2 =	sld [smem:$0x3FA4]  }
0x29: {  	s4 =	sld [smem:$0x3FA6]  }
0x2a: {  	p0 =	seq.s32 s5, $0x0;
	s5 =	sld [smem:$0x3FA7]  }
0x2b: {  	s6 =	sld [smem:$0x3FA8]  }
0x2c: {  	s7 =	sld [smem:$0x3FA9]  }
0x2d: {  	s3 =	simm.s32 $0x108;
	s8 =	sld [smem:$0x3FAA]  }
0x2e: {  	s3 =	simm.s32 @!p0 $0x1082;
	s9 =	sld [smem:$0x3FAB]  }
0x2f: {  	lr =	sadd.s32 s0, s3;
	s0 =	sld [smem:$0x3FA2]  }
0x30: {  	s3 =	sld [smem:$0x3FA5]  }
0x31: {  	[smem:$0x3FAE] =	sst s10  }
0x32: {  	s10 =	sld [smem:$0x3FAC];
	_ =	sdelay $0x3  }
0x33: {  	p0 =	seq.s32 s10, $0x1;
	s10 =	sld [smem:$0x3FAE];
	_ =	sdelay $0x3  }
0x34: {  	[smem:$0x3FAE] =	sst s10  }
0x35: {  	s10 =	sld [smem:$0x3FAD];
	_ =	sdelay $0x3  }
0x36: {  	p1 =	seq.s32 s10, $0x1;
	s10 =	sld [smem:$0x3FAE];
	_ =	sdelay $0x3  }
0x37: {  	[smem:$0x3FAE] =	sst s10  }
0x38: {  	s10 =	sld [smem:$0x3FAF]  }
0x39: {  	_ = 	snop;
	(pc) =	sbr.ind lr, $3  }
0x3a: {  	_ = 	snop  }
0x3b: {  	_ = 	snop  }
0x3c: {  	p2 =	seq.s32 s10, $0x1;
	s10 =	sld [smem:$0x3FAE]  }
0x3d: {  	_ =	shalt  }
0x3e: {  	_ =	shalt  }
0x3f: {  	_ =	shalt  }
0x40: {  	_ =	shalt  }
0x41: {  	_ =	shalt  }
0x42: {  	_ =	shalt  }
0x43: {  	_ =	shalt  }
0x44: {  	_ =	shalt  }
0x45: {  	_ =	shalt  }
0x46: {  	_ =	shalt  }
0x47: {  	_ =	shalt  }
0x48: {  	_ =	shalt  }
0x49: {  	_ =	shalt  }
0x4a: {  	_ =	shalt  }
0x4b: {  	_ =	shalt  }
0x4c: {  	_ =	shalt  }
0x4d: {  	_ =	shalt  }
0x4e: {  	_ =	shalt  }
0x4f: {  	_ =	shalt  }
0x50: {  	_ =	shalt  }
0x51: {  	_ =	shalt  }
0x52: {  	_ =	shalt  }
0x53: {  	_ =	shalt  }
0x54: {  	_ =	shalt  }
0x55: {  	_ =	shalt  }
0x56: {  	_ =	shalt  }
0x57: {  	_ =	shalt  }
0x58: {  	_ =	shalt  }
0x59: {  	_ =	shalt  }
0x5a: {  	_ =	shalt  }
0x5b: {  	_ =	shalt  }
0x5c: {  	_ =	shalt  }
0x5d: {  	_ =	shalt  }
0x5e: {  	_ =	shalt  }
0x5f: {  	_ =	shalt  }
0x60: {  	_ =	shalt  }
0x61: {  	_ =	shalt  }
0x62: {  	_ =	shalt  }
0x63: {  	_ =	shalt  }
0x64: {  	_ =	shalt  }
0x65: {  	_ =	shalt  }
0x66: {  	_ =	shalt  }
0x67: {  	_ =	shalt  }
0x68: {  	_ =	shalt  }
0x69: {  	_ =	shalt  }
0x6a: {  	_ =	shalt  }
0x6b: {  	_ =	shalt  }
0x6c: {  	_ =	shalt  }
0x6d: {  	_ =	shalt  }
0x6e: {  	_ =	shalt  }
0x6f: {  	_ =	shalt  }
0x70: {  	_ =	shalt  }
0x71: {  	_ =	shalt  }
0x72: {  	_ =	shalt  }
0x73: {  	_ =	shalt  }
0x74: {  	_ =	shalt  }
0x75: {  	_ =	shalt  }
0x76: {  	_ =	shalt  }
0x77: {  	_ =	shalt  }
0x78: {  	_ =	shalt  }
0x79: {  	_ =	shalt  }
0x7a: {  	_ =	shalt  }
0x7b: {  	_ =	shalt  }
0x7c: {  	_ =	shalt  }
0x7d: {  	_ =	shalt  }
0x7e: {  	_ =	shalt  }
0x7f: {  	_ =	shalt  }
0x80: {  	_ =	shalt  }
0x81: {  	_ =	shalt  }
0x82: {  	_ =	shalt  }
0x83: {  	_ =	shalt  }
0x84: {  	_ =	shalt  }
0x85: {  	_ =	shalt  }
0x86: {  	_ =	shalt  }
0x87: {  	_ =	shalt  }
.Lfunc_end0:
.L_simem_size_0:
called_computation.1_lowered:
.L_overlay_start_0:
0x88: {  	s2 =	sld [smem:$0x3FD9]  }
0x89: {  	s3 =	sld [smem:$0x3FFE];
	_ =	sdelay $0x1  }
0x8a: {  	s1 =	srdreg.scid  }
0x8b: {  	s0 =	sand.u32 $0x1, s1  }
0x8c: {  	s15 =	sshll.u32 s0, $0xA;
	s2 =	sadd.s32 s3, s2  }
0x8d: {  	s2 =	sadd.s32 s2, s15  }
0x8e: {  	[smem:$0x3FBA] =	sst s2  }
0x8f: {  	_ = 	snop  }
0x90: {  	s16 =	sld [smem:$0x3FD0];
	_ =	sdelay $0x2  }
0x91: {  	s4 =	simm.s32 $0xB;
	s5 =	simm.s32 $0x10;
	s2 =	sld [smem:$0x3FC9]  }
0x92: {  	[smem:s5], [sflag:s4] =	dma.local [hbm:s16], $0x1  }
0x93: {  	_ =	swait.eq [sflag:s4], $0x1  }
0x94: {  	[sflag:s4] =	ssyncset.done $0x0  }
0x95: {  	[sflag:s4] =	ssyncadd.s32 $0xFFFFFFFF  }
0x96: {  	s17 =	sld [smem:$0x11];
	(tm) =	ssettm $0x1  }
0x97: {  	s18 =	sld [smem:$0x3FFB];
	_ =	sdelay $0x3  }
0x98: {  	_ =	strace s18  }
0x99: {  	s3 =	sld [smem:$0x3FFC];
	_ =	sdelay $0x3  }
0x9a: {  	_ =	strace s3  }
0x9b: {  	s3 =	sld [smem:$0x3FFD];
	_ =	sdelay $0x3  }
0x9c: {  	_ =	strace s3  }
0x9d: {  	_ =	strace $0x8FFFFFFF  }
0x9e: {  	s19 =	sld [smem:$0x3FDB];
	_ =	sdelay $0x1  }
0x9f: {  	s20 =	simm.s32 $_scs_section_size  }
0xa0: {  	s6 =	simm.s32 $_size__tile_overlayer_lowered;
	s7 =	simm.s32 $_tile_overlayer_lowered  }
0xa1: {  	s8 =	simm.s32 $0x1BFF;
	s21 =	sshll.u32 s7, $0x1;
	s5 =	sadd.s32 s20, s19  }
0xa2: {  	s22 =	simm.s32 $0x0;
	s6 =	sshll.u32 s6, $0x1;
	s7 =	sadd.s32 s21, s5  }
0xa3: {  	[timem:s22], [sflag:s8] =	dma.local [hbm:s7], s6  }
0xa4: {  	_ =	swait.ge [sflag:s8], s6  }
0xa5: {  	s6 =	ssub.s32 $0x0, s6;
	[sflag:s8] =	ssyncset.done $0x0  }
0xa6: {  	[sflag:s8] =	ssyncadd.s32 s6;
	_ =	sdelay $0x1  }
0xa7: {  	s23 =	simm.s32 $0x1B8B  }
0xa8: {  	_ =	swait.ge [sflag:s23], $0x1  }
0xa9: {  	[sflag:s23] =	ssyncset.done $0x0  }
0xaa: {  	[sflag:s23] =	ssyncadd.s32 $0xFFFFFFFF  }
0xab: {  	s6 =	sld [smem:$0x0]  }
0xac: {  	s7 =	sand.u32 $0xFFFFFFFE, s1  }
0xad: {  	p0 =	sne.s32 s1, s7  }
0xae: {  	s7 =	sshll.u32 @p0 s7, $0xE  }
0xaf: {  	s7 =	sadd.s32 @p0 $0x11B8D, s7;
	s8 =	sshll.u32 @p0 s6, $0x11  }
0xb0: {  	s7 =	sor.u32 @p0 s8, s7  }
0xb1: {  	[sflag:s7] =	ssyncadd.remote.s32 @p0 $0x1;
	_ =	sdelay $0x1  }
0xb2: {  	s7 =	simm.s32 @p0 $0x1B8D  }
0xb3: {  	_ =	swait.eq @p0 [sflag:s7], $0x1  }
0xb4: {  	[sflag:s7] =	ssyncadd.s32 @p0 $0xFFFFFFFF  }
0xb5: {  	s8 =	sshll.u32 @!p0 s1, $0xE  }
0xb6: {  	s8 =	sor.u32 @!p0 $0x4000, s8;
	s7 =	simm.s32 @!p0 $0x1B8D  }
0xb7: {  	s6 =	sshll.u32 @!p0 s6, $0x11;
	s8 =	sadd.s32 @!p0 $0x11B8D, s8;
	_ =	swait.eq @!p0 [sflag:s7], $0x1  }
0xb8: {  	s6 =	sor.u32 @!p0 s6, s8;
	[sflag:s7] =	ssyncadd.s32 @!p0 $0xFFFFFFFF  }
0xb9: {  	s25 =	simm.s32 $0x1B8E;
	s24 =	sld [smem:$0x3FFE];
	[sflag:s6] =	ssyncadd.remote.s32 @!p0 $0x1  }
0xba: {  	s26 =	simm.s32 $execute0_lowered;
	[smem:$0x3FD2] =	sst s25  }
0xbb: {  	s7 =	sshll.u32 s26, $0x1;
	_ =	strace $0x80000049;
	[dreg:$0x1] =	wrdreg $0xFFFFFFFF  }
0xbc: {  	s28 =	simm.s32 $_size_execute0_lowered;
	s5 =	sadd.s32 s5, s7;
	[dreg:$0x0] =	wrdreg $0x0  }
0xbd: {  	s7 =	sshll.u32 s28, $0x1;
	[dreg:$0x2] =	wrdreg s5  }
0xbe: {  	[dreg:$0x3] =	wrdreg s7  }
0xbf: {  	[dreg:$0x4] =	wrdreg $0xC0  }
0xc0: {  	_ =	task [dreg:s22], $0x5FFFF  }
0xc1: {  	[dreg:$0x1] =	wrdreg $0xFFFFFFFF  }
0xc2: {  	[dreg:$0x0] =	wrdreg $0x60  }
0xc3: {  	[dreg:$0x2] =	wrdreg s2  }
0xc4: {  	[dreg:$0x3] =	wrdreg s24  }
0xc5: {  	[dreg:$0x4] =	wrdreg s17  }
0xc6: {  	[dreg:$0x5] =	wrdreg $0xA  }
0xc7: {  	_ =	task.clear_ibuf [dreg:s22], $0x6FFFF;
	_ =	strace $0x90000049  }
0xc8: {  	s29 =	simm.s32 $0xA;
	_ =	strace $0x8000004B  }
0xc9: {  	_ =	swait.ge [sflag:s29], $0x1  }
0xca: {  	[sflag:s29] =	ssyncadd.s32 $0xFFFFFFFF  }
0xcb: {  	_ =	strace $0x9000004B  }
0xcc: {  	_ =	sfence  }
0xcd: {  	s30 =	sld [smem:$0x0];
	_ =	sdelay $0x2  }
0xce: {  	s31 =	sshll.u32 s1, $0xD;
	s1 =	sshrl.u32 s1, $0x2  }
0xcf: {  	s4 =	sand.u32 $0x4000, s31;
	s1 =	sadd.s32 s1, s30  }
0xd0: {  	s0 =	sor.u32 s4, s0;
	s1 =	sshll.u32 s1, $0x11  }
0xd1: {  	s0 =	sor.u32 s1, s0  }
0xd2: {  	s0 =	sadd.s32 $0x8F2B, s0  }
0xd3: {  	[sflag:s0] =	ssyncadd.remote.s32 $0x1  }
0xd4: {  	_ =	sfence.sel $0xFFFF  }
0xd5: {  	[dreg:$0x0] =	wrdreg $0xFFFFFFFF;
	(pc) =	sbr.abs _section_cstart, $3  }
0xd6: {  	[dreg:$0x1] =	wrdreg $0xFFFFFFFF  }
0xd7: {  	_ =	task.clear_ibuf [dreg:s22], $0x2FFFF;
	_ =	strace $0x9FFFFFFF  }
0xd8: {  	(tm) =	ssettm $0x7FFFFFFF  }
0xd9: {  	_ =	shalt  }
tec
execute0_lowered:
.L_overlay_start_1:
0x0: {  	(tag) =	ssettag $0x1  }
0x1: {  	s3 =	rddreg [dreg:$0x0]  }
0x2: {  	s5 =	rddreg [dreg:$0x1]  }
0x3: {  	s8 =	rddreg [dreg:$0x2];
	s2 =	srdreg.scid  }
0x4: {  	s0 =	rddreg [dreg:$0x3];
	s1 =	stileid.u32;
	s6 =	sand.u32 $0x1, s2  }
0x5: {  	s2 =	simm.s32 $0x0;
	s4 =	sshll.u32 s1, $0x7;
	s7 =	sshll.u32 s6, $0x6  }
0x6: {  	[smem:$0x7FF] =	sst s2;
	s10 =	ssub.s32 $0x2, s6;
	s9 =	sor.u32 s7, s4  }
0x7: {  	_ =	strace $0x8000004A;
	s4 =	sadd.s32 s3, s9;
	s3 =	simm.s32 $0x2  }
0x8: {  	[tilespmem:s2], [sflag:$0x2] =	stream.linear.gather [hbm4b:s4+s2], $0x200, $0x38;
	[tilespmem:$0x400] =	vst v63  }
0x9: {  	s5 =	sadd.s32 $0xB200, s5;
	s11 =	sshrl.u32 s10, $0x1;
	_ =	swait.ge [sflag:s3], $0x200  }
0xa: {  	s6 =	simm.s32 $0x200;
	s10 =	ssub.s32 s10, s11;
	[sflag:s3] =	ssyncset.done $0x0  }
0xb: {  	s7 =	simm.s32 $0x1;
	s31 =	smax.u32 s10, $0x1;
	[sflag:s3] =	ssyncadd.s32 $0xFFFFFE00  }
0xc: {  	[tilespmem:s6], [sflag:$0x1] =	stream.indirect.gather [hbm4b:s5+s6], $0x1, s2, s6, $0xb8;
	[tilespmem:$0x400] =	vst v63  }
0xd: {  	p0 =	sne.s32 s31, $0x1;
	_ =	swait.ge [sflag:s7], $0x200  }
.Ltmp0:
0xe: {  	[sflag:s7] =	ssyncset.done $0x0;
	(pc) =	sbr.rel @!p0 .LBB2_2-.Ltmp0, $4  }
0xf: {  	s8 =	sadd.s32 s8, s9;
	[sflag:s7] =	ssyncadd.s32 $0xFFFFFE00  }
0x10: {  	[hbm4b:s8+s2] =	stream.linear.scatter [tilespmem:s6], [sflag:$0x2], $0x200, $0x38;
	[tilespmem:$0x400] =	vst v63  }
0x11: {  	_ =	swait.ge [sflag:s3], $0x200  }
0x12: {  	s9 =	sadd.s32 $0xFFFFFFFF, s31;
	[sflag:s3] =	ssyncset.done $0x0  }
.LBB2_1:
0x13: {  	p0 =	sne.s32 s9, $0x1;
	s9 =	sadd.s32 $0xFFFFFFFF, s9;
	[sflag:s3] =	ssyncadd.s32 $0xFFFFFE00  }
0x14: {  	[tilespmem:s2], [sflag:$0x2] =	stream.linear.gather [hbm4b:s4+s2], $0x200, $0x38;
	[tilespmem:$0x400] =	vst v63  }
0x15: {  	_ =	swait.ge [sflag:s3], $0x200  }
0x16: {  	[sflag:s3] =	ssyncset.done $0x0  }
0x17: {  	[sflag:s3] =	ssyncadd.s32 $0xFFFFFE00  }
0x18: {  	[tilespmem:s6], [sflag:$0x1] =	stream.indirect.gather [hbm4b:s5+s6], $0x1, s2, s6, $0xb8;
	[tilespmem:$0x400] =	vst v63  }
0x19: {  	_ =	swait.ge [sflag:s7], $0x200  }
.Ltmp1:
0x1a: {  	[sflag:s7] =	ssyncset.done $0x0;
	(pc) =	sbr.rel @p0 .LBB2_1-.Ltmp1, $4  }
0x1b: {  	[sflag:s7] =	ssyncadd.s32 $0xFFFFFE00  }
0x1c: {  	[hbm4b:s8+s2] =	stream.linear.scatter [tilespmem:s6], [sflag:$0x2], $0x200, $0x38;
	[tilespmem:$0x400] =	vst v63  }
0x1d: {  	_ =	swait.ge [sflag:s3], $0x200  }
0x1e: {  	[sflag:s3] =	ssyncset.done $0x0  }
.LBB2_2:
0x1f: {  	[sflag:s3] =	ssyncadd.s32 $0xFFFFFE00  }
0x20: {  	_ =	sfence.sel $0x180000  }
0x21: {  	[bflag:$0x0] =	sbarrier.arrive $0xFFFF  }
0x22: {  	p0 =	sne.s32 s1, $0x0;
	_ =	strace $0x9000004A  }
0x23: {  	s0 =	sadd.s32 @!p0 $0x100000, s0;
	[bflag:$0x2] =	sbarrier.arrive $0xFFFF  }
0x24: {  	[sflag:s0] =	ssyncadd.tile.s32 @!p0 $0x1;
	_ =	shalt  }
.Lfunc_end2:
_tile_overlayer_lowered:
.L_overlay_start_2:
0x25: {  	(tag) =	ssettag $0x2  }
0x26: {  	s0 =	rddreg [dreg:$0x0];
	s2 =	stileid.u32  }
0x27: {  	s1 =	rddreg [dreg:$0x1];
	p0 =	sne.s32 s2, $0x0  }
0x28: {  	s3 =	rddreg [dreg:$0x2];
	[bflag:$0x3] =	sbarrier.arrive $0xFFFF;
	s2 =	simm.s32 @!p0 $0x1C02  }
0x29: {  	[timem:s3], [sflag:s2] =	dma.local @!p0 [hbm:s0], s1  }
0x2a: {  	s0 =	simm.s32 @!p0 $0x2  }
0x2b: {  	_ =	swait.ge @!p0 [sflag:s0], s1  }
0x2c: {  	s1 =	ssub.s32 @!p0 $0x0, s1;
	[sflag:s0] =	ssyncset.done @!p0 $0x0  }
0x2d: {  	[sflag:s0] =	ssyncadd.s32 @!p0 s1  }
0x2e: {  	[bflag:$0x3] =	sbarrier.arrive $0xFFFF  }
0x2f: {  	_ =	shalt  }

</sc_bundles>
